<compile_context>
chip_gen: v7x
topology: tpu7x:2x2x1
jax: 0.10.2.dev20260603
libtpu: 0.0.44.dev20260713+nightly
codegen_flags: <defaults>
</compile_context>

<pallas_src>
import functools

import jax
import jax.numpy as jnp
from jax import lax
from jax.experimental import pallas as pl
from jax.experimental.pallas import tpu as pltpu
from jax.experimental.pallas import tpu_sc as plsc

_B = 64
_NCLS = 13
_L = 16
_RPT = 16
_NT = _B // _RPT

_mesh = plsc.VectorSubcoreMesh(
    core_axis_name="c", subcore_axis_name="s", num_cores=1
)


@functools.partial(
    pl.kernel,
    mesh=_mesh,
    out_type=jax.ShapeDtypeStruct((_B, _NCLS), jnp.float32),
    scratch_types=[
        pltpu.VMEM((_L,), jnp.int32),
        pltpu.VMEM((_RPT, _NCLS), jnp.float32),
        pltpu.SemaphoreType.DMA,
    ],
    compiler_params=pltpu.CompilerParams(
        needs_layout_passes=False,
        skip_device_barrier=True,
        disable_semaphore_checks=True,
        disable_bounds_checks=True,
        use_tc_tiling_on_sc=False,
    ),
)
def _scatter_logits(labels_hbm, out_hbm, labels_v, buf_v, lsem):
    w = lax.axis_index("s")

    @pl.when(w < _NT)
    def _():
        lcp = pltpu.make_async_copy(
            labels_hbm.at[pl.ds(w * _L, _L)], labels_v, lsem
        )
        lcp.start()

        iota = lax.iota(jnp.int32, _L)
        neg = jnp.full((_L,), -10.0, jnp.float32)
        for c in range(_NCLS):
            plsc.store_scatter(
                buf_v, [iota, jnp.full((_L,), c, jnp.int32)], neg
            )
        lcp.wait()

        chunk = labels_v[:]
        ten = jnp.full((_L,), 10.0, jnp.float32)
        plsc.store_scatter(buf_v, [iota, chunk], ten)

        pltpu.sync_copy(buf_v, out_hbm.at[pl.ds(w * _RPT, _RPT)])


def kernel(x, labels):
    del x
    return _scatter_logits(labels)

# --- scband reference (transcript-rebuilt; emitter-appended) ---
"""Pipeline reference for scband-dummy-model-44890998177963 (READ-ONLY COPY).

The authoritative reference and input builder live on the scoring server;
editing this copy changes nothing except your own understanding.
"""

import jax, jax.numpy as jnp
import numpy as np


def setup_inputs(seed: int = 0) -> dict:
    key = jax.random.key(seed)
    x = jax.random.normal(key, (64, 3, 64, 64), dtype=jnp.float32)
    row0 = np.array([10, 8, 9, 11, 12, 9, 8, 10], dtype=np.int64)
    row1 = np.full((8,), 7, dtype=np.int64)
    rest = np.zeros((6, 8), dtype=np.int64)
    labels_8x8 = np.vstack([row0, row1, rest])
    labels = jnp.asarray(labels_8x8.reshape(-1).astype(np.int32))
    return {"x": x, "labels": labels}


def reference(x, labels):
    # Faithful translation of DummyModel.forward
    B = x.shape[0]
    assert B == 64, f"Expected 64 tiles, got {B}"
    n_cls = 13
    logits = jnp.zeros((B, n_cls), dtype=jnp.float32)
    logits = logits + (-10.0)
    # scatter-overwrite: logits[arange(B), labels] = 10.0
    logits = logits.at[jnp.arange(B), labels].set(10.0)
    return logits

if __name__ == "__main__":
    import jax
    _d = setup_inputs()
    print(jax.jit(kernel)(*tuple(_d.values())))

</pallas_src>

<mosaic_0001>
#map = affine_map<(d0, d1) -> (0)>
#map1 = affine_map<(d0, d1) -> (0, 0)>
module attributes {stable_mosaic.version = 14 : i64} {
  func.func @_scatter_logits(%arg0: i32, %arg1: i32, %arg2: memref<64xi32, #tpu.memory_space<hbm>>, %arg3: memref<64x13xf32, #tpu.memory_space<hbm>>, %arg4: memref<16xi32, #tpu.memory_space<vmem>>, %arg5: memref<16x13xf32, #tpu.memory_space<vmem>>, %arg6: memref<!tpu.dma_semaphore, #tpu.memory_space<semaphore_mem>>) attributes {dimension_semantics = [#tpu.dimension_semantics<core_parallel>, #tpu.dimension_semantics<subcore_parallel>], iteration_bounds = array<i64: 1, 16>, scalar_prefetch = 0 : i64, scratch_operands = 3 : i64, tpu.core_type = #tpu.core_type<sc_vector_subcore>, window_params = [{transform_indices = #map}, {transform_indices = #map1}]} {
    %lt3A = arith.constant 4 : i32
    %lt3A_0 = arith.cmpi slt, %arg1, %lt3A : i32
    %convert_element_type3A = arith.extui %lt3A_0 : i1 to i32
    %cond3A = arith.constant 0 : i32
    %cond3A_1 = arith.cmpi ne, %convert_element_type3A, %cond3A : i32
    scf.if %cond3A_1 {
      %mul3A = arith.constant 16 : i32
      %mul3A_2 = arith.muli %arg1, %mul3A : i32
      %dma_start3A = tpu.memref_slice %arg2[%mul3A_2] : memref<64xi32, #tpu.memory_space<hbm>> -> memref<16xi32, #tpu.memory_space<hbm>>
      %dma_start3A_3 = tpu.memref_slice %arg2[%mul3A_2] : memref<64xi32, #tpu.memory_space<hbm>> -> memref<16xi32, #tpu.memory_space<hbm>>
      tpu.enqueue_dma source(%dma_start3A_3 : memref<16xi32, #tpu.memory_space<hbm>>) target(%arg4 : memref<16xi32, #tpu.memory_space<vmem>>) target_semaphore(%arg6 : memref<!tpu.dma_semaphore, #tpu.memory_space<semaphore_mem>>)
      %iota3A = tpu.iota {dimensions = array<i32: 0>} : vector<16xi32>
      %broadcast_in_dim3A = arith.constant -1.000000e+01 : f32
      %broadcast_in_dim3A_4 = vector.broadcast %broadcast_in_dim3A : f32 to vector<16xf32>
      %broadcast_in_dim3A_5 = arith.constant 0 : i32
      %broadcast_in_dim3A_6 = vector.broadcast %broadcast_in_dim3A_5 : i32 to vector<16xi32>
      tpu.vector_store_idx %arg5[%iota3A, %broadcast_in_dim3A_6], %broadcast_in_dim3A_4 : memref<16x13xf32, #tpu.memory_space<vmem>>[vector<16xi32>, vector<16xi32>], vector<16xf32>,
      %broadcast_in_dim3A_7 = arith.constant 1 : i32
      %broadcast_in_dim3A_8 = vector.broadcast %broadcast_in_dim3A_7 : i32 to vector<16xi32>
      tpu.vector_store_idx %arg5[%iota3A, %broadcast_in_dim3A_8], %broadcast_in_dim3A_4 : memref<16x13xf32, #tpu.memory_space<vmem>>[vector<16xi32>, vector<16xi32>], vector<16xf32>,
      %broadcast_in_dim3A_9 = arith.constant 2 : i32
      %broadcast_in_dim3A_10 = vector.broadcast %broadcast_in_dim3A_9 : i32 to vector<16xi32>
      tpu.vector_store_idx %arg5[%iota3A, %broadcast_in_dim3A_10], %broadcast_in_dim3A_4 : memref<16x13xf32, #tpu.memory_space<vmem>>[vector<16xi32>, vector<16xi32>], vector<16xf32>,
      %broadcast_in_dim3A_11 = arith.constant 3 : i32
      %broadcast_in_dim3A_12 = vector.broadcast %broadcast_in_dim3A_11 : i32 to vector<16xi32>
      tpu.vector_store_idx %arg5[%iota3A, %broadcast_in_dim3A_12], %broadcast_in_dim3A_4 : memref<16x13xf32, #tpu.memory_space<vmem>>[vector<16xi32>, vector<16xi32>], vector<16xf32>,
      %broadcast_in_dim3A_13 = arith.constant 4 : i32
      %broadcast_in_dim3A_14 = vector.broadcast %broadcast_in_dim3A_13 : i32 to vector<16xi32>
      tpu.vector_store_idx %arg5[%iota3A, %broadcast_in_dim3A_14], %broadcast_in_dim3A_4 : memref<16x13xf32, #tpu.memory_space<vmem>>[vector<16xi32>, vector<16xi32>], vector<16xf32>,
      %broadcast_in_dim3A_15 = arith.constant 5 : i32
      %broadcast_in_dim3A_16 = vector.broadcast %broadcast_in_dim3A_15 : i32 to vector<16xi32>
      tpu.vector_store_idx %arg5[%iota3A, %broadcast_in_dim3A_16], %broadcast_in_dim3A_4 : memref<16x13xf32, #tpu.memory_space<vmem>>[vector<16xi32>, vector<16xi32>], vector<16xf32>,
      %broadcast_in_dim3A_17 = arith.constant 6 : i32
      %broadcast_in_dim3A_18 = vector.broadcast %broadcast_in_dim3A_17 : i32 to vector<16xi32>
      tpu.vector_store_idx %arg5[%iota3A, %broadcast_in_dim3A_18], %broadcast_in_dim3A_4 : memref<16x13xf32, #tpu.memory_space<vmem>>[vector<16xi32>, vector<16xi32>], vector<16xf32>,
      %broadcast_in_dim3A_19 = arith.constant 7 : i32
      %broadcast_in_dim3A_20 = vector.broadcast %broadcast_in_dim3A_19 : i32 to vector<16xi32>
      tpu.vector_store_idx %arg5[%iota3A, %broadcast_in_dim3A_20], %broadcast_in_dim3A_4 : memref<16x13xf32, #tpu.memory_space<vmem>>[vector<16xi32>, vector<16xi32>], vector<16xf32>,
      %broadcast_in_dim3A_21 = arith.constant 8 : i32
      %broadcast_in_dim3A_22 = vector.broadcast %broadcast_in_dim3A_21 : i32 to vector<16xi32>
      tpu.vector_store_idx %arg5[%iota3A, %broadcast_in_dim3A_22], %broadcast_in_dim3A_4 : memref<16x13xf32, #tpu.memory_space<vmem>>[vector<16xi32>, vector<16xi32>], vector<16xf32>,
      %broadcast_in_dim3A_23 = arith.constant 9 : i32
      %broadcast_in_dim3A_24 = vector.broadcast %broadcast_in_dim3A_23 : i32 to vector<16xi32>
      tpu.vector_store_idx %arg5[%iota3A, %broadcast_in_dim3A_24], %broadcast_in_dim3A_4 : memref<16x13xf32, #tpu.memory_space<vmem>>[vector<16xi32>, vector<16xi32>], vector<16xf32>,
      %broadcast_in_dim3A_25 = arith.constant 10 : i32
      %broadcast_in_dim3A_26 = vector.broadcast %broadcast_in_dim3A_25 : i32 to vector<16xi32>
      tpu.vector_store_idx %arg5[%iota3A, %broadcast_in_dim3A_26], %broadcast_in_dim3A_4 : memref<16x13xf32, #tpu.memory_space<vmem>>[vector<16xi32>, vector<16xi32>], vector<16xf32>,
      %broadcast_in_dim3A_27 = arith.constant 11 : i32
      %broadcast_in_dim3A_28 = vector.broadcast %broadcast_in_dim3A_27 : i32 to vector<16xi32>
      tpu.vector_store_idx %arg5[%iota3A, %broadcast_in_dim3A_28], %broadcast_in_dim3A_4 : memref<16x13xf32, #tpu.memory_space<vmem>>[vector<16xi32>, vector<16xi32>], vector<16xf32>,
      %broadcast_in_dim3A_29 = arith.constant 12 : i32
      %broadcast_in_dim3A_30 = vector.broadcast %broadcast_in_dim3A_29 : i32 to vector<16xi32>
      tpu.vector_store_idx %arg5[%iota3A, %broadcast_in_dim3A_30], %broadcast_in_dim3A_4 : memref<16x13xf32, #tpu.memory_space<vmem>>[vector<16xi32>, vector<16xi32>], vector<16xf32>,
      %dma_wait3A = tpu.memref_slice %arg2[%mul3A_2] : memref<64xi32, #tpu.memory_space<hbm>> -> memref<16xi32, #tpu.memory_space<hbm>>
      %dma_wait3A_31 = tpu.memref_slice %arg2[%mul3A_2] : memref<64xi32, #tpu.memory_space<hbm>> -> memref<16xi32, #tpu.memory_space<hbm>>
      tpu.wait_dma2 semaphore(%arg6 : memref<!tpu.dma_semaphore, #tpu.memory_space<semaphore_mem>>) src(%dma_wait3A_31 : memref<16xi32, #tpu.memory_space<hbm>>) dst(%arg4 : memref<16xi32, #tpu.memory_space<vmem>>)
      %get3A = arith.constant 0 : index
      %get3A_32 = tpu.vector_load %arg4[%get3A] {strides = array<i32>} : memref<16xi32, #tpu.memory_space<vmem>>, vector<16xi32>,
      %broadcast_in_dim3A_33 = arith.constant 1.000000e+01 : f32
      %broadcast_in_dim3A_34 = vector.broadcast %broadcast_in_dim3A_33 : f32 to vector<16xf32>
      tpu.vector_store_idx %arg5[%iota3A, %get3A_32], %broadcast_in_dim3A_34 : memref<16x13xf32, #tpu.memory_space<vmem>>[vector<16xi32>, vector<16xi32>], vector<16xf32>,
      %mul3A_35 = arith.constant 16 : i32
      %mul3A_36 = arith.muli %arg1, %mul3A_35 : i32
      "tpu.region"() ({
        %run_scoped3A = tpu.sem_alloc : memref<!tpu.dma_semaphore, #tpu.memory_space<semaphore_mem>>
        %dma_start3A_37 = arith.constant 0 : i32
        %dma_start3A_38 = tpu.memref_slice %arg3[%mul3A_36, %dma_start3A_37] : memref<64x13xf32, #tpu.memory_space<hbm>> -> memref<16x13xf32, #tpu.memory_space<hbm>>
        %dma_start3A_39 = arith.constant 0 : i32
        %dma_start3A_40 = tpu.memref_slice %arg3[%mul3A_36, %dma_start3A_39] : memref<64x13xf32, #tpu.memory_space<hbm>> -> memref<16x13xf32, #tpu.memory_space<hbm>>
        tpu.enqueue_dma source(%arg5 : memref<16x13xf32, #tpu.memory_space<vmem>>) target(%dma_start3A_40 : memref<16x13xf32, #tpu.memory_space<hbm>>) target_semaphore(%run_scoped3A : memref<!tpu.dma_semaphore, #tpu.memory_space<semaphore_mem>>)
        %dma_wait3A_41 = arith.constant 0 : i32
        %dma_wait3A_42 = tpu.memref_slice %arg3[%mul3A_36, %dma_wait3A_41] : memref<64x13xf32, #tpu.memory_space<hbm>> -> memref<16x13xf32, #tpu.memory_space<hbm>>
        %dma_wait3A_43 = arith.constant 0 : i32
        %dma_wait3A_44 = tpu.memref_slice %arg3[%mul3A_36, %dma_wait3A_43] : memref<64x13xf32, #tpu.memory_space<hbm>> -> memref<16x13xf32, #tpu.memory_space<hbm>>
        tpu.wait_dma2 semaphore(%run_scoped3A : memref<!tpu.dma_semaphore, #tpu.memory_space<semaphore_mem>>) src(%arg5 : memref<16x13xf32, #tpu.memory_space<vmem>>) dst(%dma_wait3A_44 : memref<16x13xf32, #tpu.memory_space<hbm>>)
        tpu.yield
      }) : () -> ()
    } else {
    }
    return
  }
}

</mosaic_0001>

<sc_bundles>
// kernel: kernel.3.cloned.1.call-start
scs
__scs_entry_jumppad:
0x0: {  	(pc) =	sbr.rel $0x88, $3  }
0x1: {  	(tag) =	ssettag $0x0;
	lr =	simm.s32 $0x1  }
0x2: {  	[smem:$0x3FA0] =	sst lr;
	_ =	strace $0xD0000000  }
0x3: {  	_ = 	snop  }
0x4: {  	_ = 	snop  }
0x5: {  	_ = 	snop  }
0x6: {  	_ = 	snop  }
0x7: {  	_ = 	snop  }
__scs_overlays_trampoline_lowered:
0x8: {  	[smem:$0x3FAF] =	sst s0  }
0x9: {  	[smem:$0x3FB0] =	sst s1  }
0xa: {  	[smem:$0x3FB1] =	sst s2  }
0xb: {  	[smem:$0x3FB2] =	sst s3  }
0xc: {  	[smem:$0x3FB3] =	sst s4  }
0xd: {  	[smem:$0x3FB4] =	sst s5  }
0xe: {  	[smem:$0x3FB5] =	sst s6  }
0xf: {  	[smem:$0x3FB6] =	sst s7  }
0x10: {  	[smem:$0x3FB7] =	sst s8  }
0x11: {  	[smem:$0x3FB8] =	sst s9;
	s0 =	simm.s32 @!p0 $0x0  }
0x12: {  	s1 =	sld [smem:$0x3F9E];
	s0 =	simm.s32 @p0 $0x1  }
0x13: {  	[smem:$0x3FB9] =	sst s0;
	s0 =	simm.s32 @!p1 $0x0  }
0x14: {  	s2 =	sld [smem:$0x3F9D];
	s0 =	simm.s32 @p1 $0x1  }
0x15: {  	[smem:$0x3FBA] =	sst s0;
	s0 =	simm.s32 @!p2 $0x0  }
0x16: {  	s3 =	sld [smem:$0x3FDB];
	s0 =	simm.s32 @p2 $0x1  }
0x17: {  	s4 =	simm.s32 $0x1BF5;
	[smem:$0x3FBC] =	sst s0  }
0x18: {  	s0 =	sld [smem:$0x3F9F];
	_ =	swait.ge [sflag:s4], $0x0  }
0x19: {  	s7 =	sld [smem:$0x3FA0]  }
0x1a: {  	s8 =	sadd.s32 $0xFFFFE003, lr  }
0x1b: {  	s9 =	sadd.s32 $0xFFFFFEF7, lr;
	s5 =	simm.s32 $0xFFFFFFFF;
	p2 =	slt.u32 s8, $0xFFFFF086  }
0x1c: {  	p1 =	slt.u32 s9, $0xF7A;
	s5 =	simm.s32 @!p2 $0x0  }
0x1d: {  	s5 =	simm.s32 @p1 $0x1;
	p0 =	seq.s32 s7, s2  }
0x1e: {  	s7 =	smul.u32 @!p0 $0xF7A, s2;
	p2 =	seq.s32 @!p0 s5, $0x0  }
0x1f: {  	s9 =	smul.u32 $0xF7A, s1;
	s8 =	simm.s32 @!p0 $0x1BF5;
	p2 =	por !p2, p0  }
0x20: {  	[sflag:s8] =	ssyncset.s32 @!p0 $0xFFFFF086;
	s6 =	sadd.s32 @!p0 s3, s7;
	s7 =	simm.s32 @!p0 $0x108  }
0x21: {  	s3 =	sadd.s32 s3, s9;
	s6 =	sadd.s32 @!p0 $0x88, s6;
	s7 =	simm.s32 @p2 $0x1082  }
0x22: {  	[simem:s7], [sflag:s8] =	dma.local @!p0 [hbm:s6], $0xF7A  }
0x23: {  	s9 =	sor.u32 $0xD0000000, s2;
	s6 =	simm.s32 $0x108;
	_ =	swait.ge @!p0 [sflag:s8], $0x0  }
0x24: {  	s3 =	sadd.s32 $0x88, s3;
	s6 =	simm.s32 @!p1 $0x1082;
	[sflag:s4] =	ssyncset.s32 $0xFFFFF086  }
0x25: {  	[simem:s6], [sflag:s4] =	dma.local [hbm:s3], $0xF7A  }
0x26: {  	[smem:$0x3FA0] =	sst s1;
	(tag) =	ssettag s2;
	_ =	strace s9  }
0x27: {  	s1 =	sld [smem:$0x3FB0]  }
0x28: {  	s2 =	sld [smem:$0x3FB1]  }
0x29: {  	s4 =	sld [smem:$0x3FB3]  }
0x2a: {  	p0 =	seq.s32 s5, $0x0;
	s5 =	sld [smem:$0x3FB4]  }
0x2b: {  	s6 =	sld [smem:$0x3FB5]  }
0x2c: {  	s7 =	sld [smem:$0x3FB6]  }
0x2d: {  	s3 =	simm.s32 $0x108;
	s8 =	sld [smem:$0x3FB7]  }
0x2e: {  	s3 =	simm.s32 @!p0 $0x1082;
	s9 =	sld [smem:$0x3FB8]  }
0x2f: {  	lr =	sadd.s32 s0, s3;
	s0 =	sld [smem:$0x3FAF]  }
0x30: {  	s3 =	sld [smem:$0x3FB2]  }
0x31: {  	[smem:$0x3FBB] =	sst s10  }
0x32: {  	s10 =	sld [smem:$0x3FB9];
	_ =	sdelay $0x3  }
0x33: {  	p0 =	seq.s32 s10, $0x1;
	s10 =	sld [smem:$0x3FBB];
	_ =	sdelay $0x3  }
0x34: {  	[smem:$0x3FBB] =	sst s10  }
0x35: {  	s10 =	sld [smem:$0x3FBA];
	_ =	sdelay $0x3  }
0x36: {  	p1 =	seq.s32 s10, $0x1;
	s10 =	sld [smem:$0x3FBB];
	_ =	sdelay $0x3  }
0x37: {  	[smem:$0x3FBB] =	sst s10  }
0x38: {  	s10 =	sld [smem:$0x3FBC]  }
0x39: {  	_ = 	snop;
	(pc) =	sbr.ind lr, $3  }
0x3a: {  	_ = 	snop  }
0x3b: {  	_ = 	snop  }
0x3c: {  	p2 =	seq.s32 s10, $0x1;
	s10 =	sld [smem:$0x3FBB]  }
0x3d: {  	_ =	shalt  }
0x3e: {  	_ =	shalt  }
0x3f: {  	_ =	shalt  }
0x40: {  	_ =	shalt  }
0x41: {  	_ =	shalt  }
0x42: {  	_ =	shalt  }
0x43: {  	_ =	shalt  }
0x44: {  	_ =	shalt  }
0x45: {  	_ =	shalt  }
0x46: {  	_ =	shalt  }
0x47: {  	_ =	shalt  }
0x48: {  	_ =	shalt  }
0x49: {  	_ =	shalt  }
0x4a: {  	_ =	shalt  }
0x4b: {  	_ =	shalt  }
0x4c: {  	_ =	shalt  }
0x4d: {  	_ =	shalt  }
0x4e: {  	_ =	shalt  }
0x4f: {  	_ =	shalt  }
0x50: {  	_ =	shalt  }
0x51: {  	_ =	shalt  }
0x52: {  	_ =	shalt  }
0x53: {  	_ =	shalt  }
0x54: {  	_ =	shalt  }
0x55: {  	_ =	shalt  }
0x56: {  	_ =	shalt  }
0x57: {  	_ =	shalt  }
0x58: {  	_ =	shalt  }
0x59: {  	_ =	shalt  }
0x5a: {  	_ =	shalt  }
0x5b: {  	_ =	shalt  }
0x5c: {  	_ =	shalt  }
0x5d: {  	_ =	shalt  }
0x5e: {  	_ =	shalt  }
0x5f: {  	_ =	shalt  }
0x60: {  	_ =	shalt  }
0x61: {  	_ =	shalt  }
0x62: {  	_ =	shalt  }
0x63: {  	_ =	shalt  }
0x64: {  	_ =	shalt  }
0x65: {  	_ =	shalt  }
0x66: {  	_ =	shalt  }
0x67: {  	_ =	shalt  }
0x68: {  	_ =	shalt  }
0x69: {  	_ =	shalt  }
0x6a: {  	_ =	shalt  }
0x6b: {  	_ =	shalt  }
0x6c: {  	_ =	shalt  }
0x6d: {  	_ =	shalt  }
0x6e: {  	_ =	shalt  }
0x6f: {  	_ =	shalt  }
0x70: {  	_ =	shalt  }
0x71: {  	_ =	shalt  }
0x72: {  	_ =	shalt  }
0x73: {  	_ =	shalt  }
0x74: {  	_ =	shalt  }
0x75: {  	_ =	shalt  }
0x76: {  	_ =	shalt  }
0x77: {  	_ =	shalt  }
0x78: {  	_ =	shalt  }
0x79: {  	_ =	shalt  }
0x7a: {  	_ =	shalt  }
0x7b: {  	_ =	shalt  }
0x7c: {  	_ =	shalt  }
0x7d: {  	_ =	shalt  }
0x7e: {  	_ =	shalt  }
0x7f: {  	_ =	shalt  }
0x80: {  	_ =	shalt  }
0x81: {  	_ =	shalt  }
0x82: {  	_ =	shalt  }
0x83: {  	_ =	shalt  }
0x84: {  	_ =	shalt  }
0x85: {  	_ =	shalt  }
0x86: {  	_ =	shalt  }
0x87: {  	_ =	shalt  }
.Lfunc_end0:
.L_simem_size_0:
called_computation_lowered:
.L_overlay_start_0:
0x88: {  	s0 =	sld [smem:$0x3FD9]  }
0x89: {  	s1 =	sld [smem:$0x3FFE];
	_ =	sdelay $0x3  }
0x8a: {  	s0 =	sadd.s32 s1, s0  }
0x8b: {  	[smem:$0x3FC7] =	sst s0  }
0x8c: {  	_ = 	snop  }
0x8d: {  	s0 =	sld [smem:$0x3FC9]  }
0x8e: {  	s17 =	sld [smem:$0x3FD0];
	(tm) =	ssettm $0x1  }
0x8f: {  	s2 =	sld [smem:$0x3FFB];
	_ =	sdelay $0x3  }
0x90: {  	_ =	strace s2  }
0x91: {  	s2 =	sld [smem:$0x3FFC];
	_ =	sdelay $0x3  }
0x92: {  	_ =	strace s2  }
0x93: {  	s2 =	sld [smem:$0x3FFD];
	_ =	sdelay $0x3  }
0x94: {  	_ =	strace s2  }
0x95: {  	_ =	strace $0x8FFFFFFF  }
0x96: {  	s18 =	sld [smem:$0x3FDB];
	_ =	sdelay $0x1  }
0x97: {  	s3 =	simm.s32 $_scs_section_size  }
0x98: {  	s4 =	simm.s32 $_size__tile_overlayer_lowered;
	s5 =	simm.s32 $_tile_overlayer_lowered  }
0x99: {  	s21 =	simm.s32 $0x1BFF;
	s20 =	sshll.u32 s5, $0x1;
	s2 =	sadd.s32 s3, s18  }
0x9a: {  	s6 =	simm.s32 $0x0;
	s19 =	sshll.u32 s4, $0x1;
	s4 =	sadd.s32 s20, s2  }
0x9b: {  	[timem:s6], [sflag:s21] =	dma.local [hbm:s4], s19  }
0x9c: {  	_ =	swait.ge [sflag:s21], s19  }
0x9d: {  	s3 =	ssub.s32 $0x0, s19;
	[sflag:s21] =	ssyncset.done $0x0  }
0x9e: {  	[sflag:s21] =	ssyncadd.s32 s3;
	_ =	sdelay $0x1  }
0x9f: {  	s22 =	simm.s32 $0x1B8B  }
0xa0: {  	_ =	swait.ge [sflag:s22], $0x1  }
0xa1: {  	[sflag:s22] =	ssyncset.done $0x0  }
0xa2: {  	s23 =	simm.s32 $0x1B8E;
	[sflag:s22] =	ssyncadd.s32 $0xFFFFFFFF  }
0xa3: {  	s24 =	simm.s32 $execute0_lowered;
	[smem:$0x3FD2] =	sst s23  }
0xa4: {  	s3 =	sshll.u32 s24, $0x1;
	_ =	strace $0x80000046;
	[dreg:$0x1] =	wrdreg $0xFFFFFFFF  }
0xa5: {  	s25 =	simm.s32 $_size_execute0_lowered;
	s2 =	sadd.s32 s2, s3;
	[dreg:$0x0] =	wrdreg $0x0  }
0xa6: {  	s3 =	sshll.u32 s25, $0x1;
	[dreg:$0x2] =	wrdreg s2  }
0xa7: {  	[dreg:$0x3] =	wrdreg s3  }
0xa8: {  	[dreg:$0x4] =	wrdreg $0xC0  }
0xa9: {  	_ =	task [dreg:s6], $0x5FFFF  }
0xaa: {  	[dreg:$0x1] =	wrdreg $0xFFFFFFFF  }
0xab: {  	[dreg:$0x0] =	wrdreg $0x60  }
0xac: {  	[dreg:$0x2] =	wrdreg s0  }
0xad: {  	[dreg:$0x3] =	wrdreg s17  }
0xae: {  	[dreg:$0x4] =	wrdreg $0x9  }
0xaf: {  	_ =	task.clear_ibuf [dreg:s6], $0x5FFFF;
	_ =	strace $0x90000046  }
0xb0: {  	s26 =	simm.s32 $0x9;
	_ =	strace $0x80000048  }
0xb1: {  	_ =	swait.ge [sflag:s26], $0x1  }
0xb2: {  	[sflag:s26] =	ssyncadd.s32 $0xFFFFFFFF  }
0xb3: {  	_ =	strace $0x90000048  }
0xb4: {  	_ =	sfence  }
0xb5: {  	s28 =	sld [smem:$0x0];
	_ =	sdelay $0x1  }
0xb6: {  	s29 =	srdreg.scid  }
0xb7: {  	s30 =	sshll.u32 s29, $0xD;
	s31 =	sshrl.u32 s29, $0x2  }
0xb8: {  	s1 =	sand.u32 $0x1, s29;
	s2 =	sand.u32 $0x4000, s30;
	s0 =	sadd.s32 s31, s28  }
0xb9: {  	s1 =	sor.u32 s2, s1;
	s0 =	sshll.u32 s0, $0x11  }
0xba: {  	s0 =	sor.u32 s0, s1  }
0xbb: {  	s0 =	sadd.s32 $0x8F2B, s0  }
0xbc: {  	[sflag:s0] =	ssyncadd.remote.s32 $0x1  }
0xbd: {  	_ =	sfence.sel $0xFFFF  }
0xbe: {  	[dreg:$0x0] =	wrdreg $0xFFFFFFFF;
	(pc) =	sbr.abs _section_cstart, $3  }
0xbf: {  	[dreg:$0x1] =	wrdreg $0xFFFFFFFF  }
0xc0: {  	_ =	task.clear_ibuf [dreg:s6], $0x2FFFF;
	_ =	strace $0x9FFFFFFF  }
0xc1: {  	(tm) =	ssettm $0x7FFFFFFF  }
tec
execute0_lowered:
.L_overlay_start_1:
0x0: {  	(tag) =	ssettag $0x1  }
0x1: {  	s0 =	stileid.u32  }
0x2: {  	p0 =	sgt.u32 s0, $0x3  }
0x3: {  	s1 =	rddreg [dreg:$0x0];
	v0 =	vlaneseq.u32 @!p0  }
0x4: {  	s2 =	rddreg [dreg:$0x1];
	v0 =	vmul.u32 @!p0 $0x10, v0  }
0x5: {  	s3 =	rddreg [dreg:$0x2];
	s4 =	simm.s32 $0x0  }
0x6: {  	[smem:$0x7FF] =	sst s4;
	s4 =	sshll.u32 @!p0 s0, $0x1;
	v1 =	vor.u32 @!p0 $0x1, v0  }
0x7: {  	_ =	strace $0x80000047;
	s1 =	sadd.s32 @!p0 s1, s4;
	s4 =	simm.s32 @!p0 $0x0;
	v2 =	vor.u32 @!p0 $0x2, v0  }
0x8: {  	[tilespmem:s4], [sflag:$0x1] =	stream.linear.gather @!p0 [hbm4b:s1+s4], $0x10, $0x38;
	v3 =	vor.u32 @!p0 $0x3, v0;
	[tilespmem:$0x110] =	vst v63  }
0x9: {  	v4 =	vimm.f32 @!p0 $-1.000000000e+01;
	s1 =	simm.s32 @!p0 $0x10;
	v5 =	vor.u32 @!p0 $0x4, v0  }
0xa: {  	v6 =	vor.u32 @!p0 $0x5, v0;
	[tilespmem:v0+s1+$0x0] =	vst.idx.msk @!p0 $0xffff, v4  }
0xb: {  	[tilespmem:v1+s1+$0x0] =	vst.idx.msk @!p0 $0xffff, v4;
	v1 =	vor.u32 @!p0 $0x6, v0  }
0xc: {  	[tilespmem:v2+s1+$0x0] =	vst.idx.msk @!p0 $0xffff, v4;
	v2 =	vor.u32 @!p0 $0x7, v0  }
0xd: {  	[tilespmem:v3+s1+$0x0] =	vst.idx.msk @!p0 $0xffff, v4;
	v3 =	vor.u32 @!p0 $0x8, v0  }
0xe: {  	[tilespmem:v5+s1+$0x0] =	vst.idx.msk @!p0 $0xffff, v4;
	v5 =	vor.u32 @!p0 $0x9, v0  }
0xf: {  	[tilespmem:v6+s1+$0x0] =	vst.idx.msk @!p0 $0xffff, v4;
	v6 =	vor.u32 @!p0 $0xA, v0  }
0x10: {  	[tilespmem:v1+s1+$0x0] =	vst.idx.msk @!p0 $0xffff, v4;
	v1 =	vor.u32 @!p0 $0xB, v0  }
0x11: {  	[tilespmem:v2+s1+$0x0] =	vst.idx.msk @!p0 $0xffff, v4;
	v2 =	vor.u32 @!p0 $0xC, v0  }
0x12: {  	[tilespmem:v3+s1+$0x0] =	vst.idx.msk @!p0 $0xffff, v4  }
0x13: {  	[tilespmem:v5+s1+$0x0] =	vst.idx.msk @!p0 $0xffff, v4  }
0x14: {  	[tilespmem:v6+s1+$0x0] =	vst.idx.msk @!p0 $0xffff, v4  }
0x15: {  	[tilespmem:v1+s1+$0x0] =	vst.idx.msk @!p0 $0xffff, v4  }
0x16: {  	s5 =	simm.s32 @!p0 $0x1;
	[tilespmem:v2+s1+$0x0] =	vst.idx.msk @!p0 $0xffff, v4  }
0x17: {  	_ =	swait.ge @!p0 [sflag:s5], $0x10  }
0x18: {  	[sflag:s5] =	ssyncset.done @!p0 $0x0  }
0x19: {  	[sflag:s5] =	ssyncadd.s32 @!p0 $0xFFFFFFF0  }
0x1a: {  	v1 =	vld @!p0 [tilespmem:$0x0];
	_ =	sdelay $0x4  }
0x1b: {  	v0 =	vadd.s32 @!p0 v0, v1;
	_ =	sdelay $0x3  }
0x1c: {  	s5 =	sshll.u32 @!p0 s0, $0x5;
	v1 =	vimm.f32 @!p0 $1.000000000e+01  }
0x1d: {  	s2 =	sadd.s32 @!p0 s2, s5;
	[tilespmem:v0+s1+$0x0] =	vst.idx.msk @!p0 $0xffff, v1  }
0x1e: {  	[hbm4b:s2+s4] =	stream.linear.scatter @!p0 [tilespmem:s1], [sflag:$0x2], $0x100, $0x38;
	[tilespmem:$0x110] =	vst v63  }
0x1f: {  	s1 =	simm.s32 @!p0 $0x2  }
0x20: {  	_ =	swait.ge @!p0 [sflag:s1], $0x100  }
0x21: {  	[sflag:s1] =	ssyncset.done @!p0 $0x0  }
0x22: {  	[sflag:s1] =	ssyncadd.s32 @!p0 $0xFFFFFF00  }
0x23: {  	_ =	sfence.sel $0x180000  }
0x24: {  	[bflag:$0x0] =	sbarrier.arrive $0xFFFF  }
0x25: {  	p0 =	sne.s32 s0, $0x0;
	_ =	strace $0x90000047  }
0x26: {  	s0 =	sadd.s32 @!p0 $0x100000, s3;
	[bflag:$0x2] =	sbarrier.arrive $0xFFFF  }
0x27: {  	[sflag:s0] =	ssyncadd.tile.s32 @!p0 $0x1;
	_ =	shalt  }
.Lfunc_end2:
_tile_overlayer_lowered:
.L_overlay_start_2:
0x28: {  	(tag) =	ssettag $0x2  }
0x29: {  	s0 =	rddreg [dreg:$0x0];
	s2 =	stileid.u32  }
0x2a: {  	s1 =	rddreg [dreg:$0x1];
	p0 =	sne.s32 s2, $0x0  }
0x2b: {  	s3 =	rddreg [dreg:$0x2];
	[bflag:$0x3] =	sbarrier.arrive $0xFFFF;
	s2 =	simm.s32 @!p0 $0x1C02  }
0x2c: {  	[timem:s3], [sflag:s2] =	dma.local @!p0 [hbm:s0], s1  }
0x2d: {  	s0 =	simm.s32 @!p0 $0x2  }
0x2e: {  	_ =	swait.ge @!p0 [sflag:s0], s1  }
0x2f: {  	s1 =	ssub.s32 @!p0 $0x0, s1;
	[sflag:s0] =	ssyncset.done @!p0 $0x0  }
0x30: {  	[sflag:s0] =	ssyncadd.s32 @!p0 s1  }
0x31: {  	[bflag:$0x3] =	sbarrier.arrive $0xFFFF  }
0x32: {  	_ =	shalt  }

</sc_bundles>
